<compile_context>
chip_gen: v7x
topology: tpu7x:2x2x1
jax: 0.10.2.dev20260603
libtpu: 0.0.44.dev20260713+nightly
codegen_flags: <defaults>
</compile_context>

<pallas_src>
import functools

import jax
import jax.numpy as jnp
from jax import lax
from jax.experimental import pallas as pl
from jax.experimental.pallas import tpu as pltpu
from jax.experimental.pallas import tpu_sc as plsc

_DIM = 64
_IC = 4096


@functools.partial(jax.jit, static_argnames=("rows", "width"))
def _lookup(x_t, table_t, rows, width):
    info = plsc.get_sparse_core_info()
    nw = info.num_cores * info.num_subcores
    n_strips = width * (_DIM // 8)
    strips_per_w = n_strips // nw
    n_ic = rows // _IC
    mesh = plsc.VectorSubcoreMesh(core_axis_name="c", subcore_axis_name="s")

    @functools.partial(
        pl.kernel,
        mesh=mesh,
        compiler_params=pltpu.CompilerParams(needs_layout_passes=False),
        out_type=jax.ShapeDtypeStruct((width, _DIM, rows), jnp.float32),
        scratch_types=[
            pltpu.VMEM((_DIM, 128), jnp.float32),
            pltpu.VMEM((rows,), jnp.int32),
            pltpu.VMEM((2, 8, _IC), jnp.float32),
            pltpu.SemaphoreType.DMA((2,)),
        ],
    )
    def k(xt_hbm, tabt_hbm, out_hbm, tabt_v, idx_col, strip_v, wsem):
        wid = lax.axis_index("s") * info.num_cores + lax.axis_index("c")
        s0 = wid * strips_per_w
        pltpu.sync_copy(tabt_hbm, tabt_v)

        def strip_body(s, _):
            sid = s0 + s
            j = sid // 8
            dt = lax.rem(sid, 8)

            @pl.when(jnp.logical_or(s == 0, dt == 0))
            def _stage_col():
                pltpu.sync_copy(xt_hbm.at[j], idx_col)

            def ic_body(ic, _):
                cidx = s * n_ic + ic
                buf = lax.rem(cidx, 2)

                @pl.when(cidx >= 2)
                def _wait_prev():
                    pltpu.make_async_copy(
                        strip_v.at[buf],
                        out_hbm.at[0, pl.ds(0, 8), pl.ds(0, _IC)],
                        wsem.at[buf],
                    ).wait()

                @plsc.parallel_loop(0, _IC // 16)
                def g_body(g):
                    ivec = idx_col[pl.ds(ic * _IC + g * 16, 16)]
                    for dd in range(8):
                        dsplat = jnp.full((16,), dt * 8 + dd, jnp.int32)
                        vals = plsc.load_gather(tabt_v, [dsplat, ivec])
                        strip_v[buf, dd, pl.ds(g * 16, 16)] = vals

                pltpu.async_copy(
                    strip_v.at[buf],
                    out_hbm.at[j, pl.ds(dt * 8, 8), pl.ds(ic * _IC, _IC)],
                    wsem.at[buf],
                )
                return 0

            lax.fori_loop(0, n_ic, ic_body, 0)
            return 0

        lax.fori_loop(0, strips_per_w, strip_body, 0)

        for b in range(2):
            pltpu.make_async_copy(
                strip_v.at[b],
                out_hbm.at[0, pl.ds(0, 8), pl.ds(0, _IC)],
                wsem.at[b],
            ).wait()

    return k(x_t, table_t)


def kernel(x, table):
    x_t = jnp.swapaxes(x, 0, 1).astype(jnp.int32)
    table_t = jnp.swapaxes(table, 0, 1)
    out_t = _lookup(x_t, table_t, x.shape[0], x.shape[1])
    return jnp.transpose(out_t, (2, 0, 1))

# --- scband reference (transcript-rebuilt; emitter-appended) ---
"""Pipeline reference for scband-char-embedding-90151363543228 (READ-ONLY COPY).

The authoritative reference and input builder live on the scoring server;
editing this copy changes nothing except your own understanding.
"""

import jax, jax.numpy as jnp
import numpy as np

VOCAB_SIZE = 128
EMBED_DIM = 64


def setup_inputs(seed: int = 0) -> dict:
    key = jax.random.key(seed)
    k_idx, k_tab = jax.random.split(key)
    x = jax.random.randint(k_idx, (16384, 200), 0, VOCAB_SIZE, dtype=jnp.int64)
    table = jax.random.normal(k_tab, (VOCAB_SIZE, EMBED_DIM), dtype=jnp.float32)
    # nn.Embedding(padding_idx=0): row 0 is zeroed at init
    table = table.at[0].set(0.0)
    return {"x": x, "table": table}


def reference(x, table):
    # CharEmbedding.forward: embedding lookup with padding_idx=0
    # (row 0 of the table is held at zero)
    table = table.at[0].set(0.0)
    return jnp.take(table, x, axis=0)

if __name__ == "__main__":
    import jax
    _d = setup_inputs()
    print(jax.jit(kernel)(*tuple(_d.values())))

</pallas_src>

<mosaic_0001>
#map = affine_map<(d0, d1) -> (0, 0)>
#map1 = affine_map<(d0, d1) -> (0, 0, 0)>
module attributes {stable_mosaic.version = 14 : i64} {
  func.func @k(%arg0: i32, %arg1: i32, %arg2: memref<200x16384xi32, #tpu.memory_space<hbm>>, %arg3: memref<64x128xf32, #tpu.memory_space<hbm>>, %arg4: memref<200x64x16384xf32, #tpu.memory_space<hbm>>, %arg5: memref<64x128xf32, #tpu.memory_space<vmem>>, %arg6: memref<16384xi32, #tpu.memory_space<vmem>>, %arg7: memref<2x8x4096xf32, #tpu.memory_space<vmem>>, %arg8: memref<2x!tpu.dma_semaphore, #tpu.memory_space<semaphore_mem>>) attributes {dimension_semantics = [#tpu.dimension_semantics<core_parallel>, #tpu.dimension_semantics<subcore_parallel>], iteration_bounds = array<i64: 2, 16>, scalar_prefetch = 0 : i64, scratch_operands = 4 : i64, tpu.core_type = #tpu.core_type<sc_vector_subcore>, window_params = [{transform_indices = #map}, {transform_indices = #map}, {transform_indices = #map1}]} {
    %mul3A = arith.constant 2 : i32
    %mul3A_0 = arith.muli %arg1, %mul3A : i32
    %add3A = arith.addi %mul3A_0, %arg0 : i32
    %mul3A_1 = arith.constant 50 : i32
    %mul3A_2 = arith.muli %add3A, %mul3A_1 : i32
    "tpu.region"() ({
      %run_scoped3A = tpu.sem_alloc : memref<!tpu.dma_semaphore, #tpu.memory_space<semaphore_mem>>
      tpu.enqueue_dma source(%arg3 : memref<64x128xf32, #tpu.memory_space<hbm>>) target(%arg5 : memref<64x128xf32, #tpu.memory_space<vmem>>) target_semaphore(%run_scoped3A : memref<!tpu.dma_semaphore, #tpu.memory_space<semaphore_mem>>)
      tpu.wait_dma2 semaphore(%run_scoped3A : memref<!tpu.dma_semaphore, #tpu.memory_space<semaphore_mem>>) src(%arg3 : memref<64x128xf32, #tpu.memory_space<hbm>>) dst(%arg5 : memref<64x128xf32, #tpu.memory_space<vmem>>)
      tpu.yield
    }) : () -> ()
    %scan3A = arith.constant 0 : i32
    %scan3A_3 = arith.constant 0 : i32
    %scan3A_4 = arith.constant 50 : i32
    %scan3A_5 = arith.addi %scan3A_3, %scan3A_4 : i32
    %scan3A_6 = arith.constant 1 : i32
    %scan3A_7 = scf.for %scan3A_50 = %scan3A_3 to %scan3A_5 step %scan3A_6 iter_args(%scan3A_51 = %scan3A) -> (i32)  : i32 {
      %add3A_52 = arith.addi %mul3A_2, %scan3A_50 : i32
      %jit3A = arith.constant 8 : i32
      %div3A = arith.divsi %add3A_52, %jit3A : i32
      %sign3A = arith.constant 0 : i32
      %sign3A_53 = arith.cmpi sgt, %add3A_52, %sign3A : i32
      %sign3A_54 = arith.extui %sign3A_53 : i1 to i32
      %sign3A_55 = arith.constant 0 : i32
      %sign3A_56 = arith.cmpi slt, %add3A_52, %sign3A_55 : i32
      %sign3A_57 = arith.extui %sign3A_56 : i1 to i32
      %sign3A_58 = arith.subi %sign3A_54, %sign3A_57 : i32
      %sign3A_59 = arith.constant 0 : i32
      %sign3A_60 = arith.cmpi sgt, %jit3A, %sign3A_59 : i32
      %sign3A_61 = arith.extui %sign3A_60 : i1 to i32
      %sign3A_62 = arith.constant 0 : i32
      %sign3A_63 = arith.cmpi slt, %jit3A, %sign3A_62 : i32
      %sign3A_64 = arith.extui %sign3A_63 : i1 to i32
      %sign3A_65 = arith.subi %sign3A_61, %sign3A_64 : i32
      %ne3A = arith.cmpi ne, %sign3A_58, %sign3A_65 : i32
      %rem3A = arith.remsi %add3A_52, %jit3A : i32
      %ne3A_66 = arith.constant 0 : i32
      %ne3A_67 = arith.cmpi ne, %rem3A, %ne3A_66 : i32
      %and3A = arith.andi %ne3A, %ne3A_67 : i1
      %sub3A = arith.constant 1 : i32
      %sub3A_68 = arith.subi %div3A, %sub3A : i32
      %select_n3A = arith.select %and3A, %sub3A_68, %div3A : i32
      %rem3A_69 = arith.constant 8 : i32
      %rem3A_70 = arith.remsi %add3A_52, %rem3A_69 : i32
      %eq3A = arith.constant 0 : i32
      %eq3A_71 = arith.cmpi eq, %scan3A_50, %eq3A : i32
      %eq3A_72 = arith.constant 0 : i32
      %eq3A_73 = arith.cmpi eq, %rem3A_70, %eq3A_72 : i32
      %or3A = arith.ori %eq3A_71, %eq3A_73 : i1
      %convert_element_type3A = arith.extui %or3A : i1 to i32
      %cond3A = arith.constant 0 : i32
      %cond3A_74 = arith.cmpi ne, %convert_element_type3A, %cond3A : i32
      scf.if %cond3A_74 {
        "tpu.region"() ({
          %run_scoped3A = tpu.sem_alloc : memref<!tpu.dma_semaphore, #tpu.memory_space<semaphore_mem>>
          %dma_start3A = arith.constant 0 : i32
          %dma_start3A_83 = tpu.memref_slice %arg2[%select_n3A, %dma_start3A] : memref<200x16384xi32, #tpu.memory_space<hbm>> -> memref<1x16384xi32, #tpu.memory_space<hbm>>
          %dma_start3A_84 = tpu.memref_squeeze %dma_start3A_83 : memref<1x16384xi32, #tpu.memory_space<hbm>> -> memref<16384xi32, #tpu.memory_space<hbm>>
          %dma_start3A_85 = arith.constant 0 : i32
          %dma_start3A_86 = tpu.memref_slice %arg2[%select_n3A, %dma_start3A_85] : memref<200x16384xi32, #tpu.memory_space<hbm>> -> memref<1x16384xi32, #tpu.memory_space<hbm>>
          %dma_start3A_87 = tpu.memref_squeeze %dma_start3A_86 : memref<1x16384xi32, #tpu.memory_space<hbm>> -> memref<16384xi32, #tpu.memory_space<hbm>>
          tpu.enqueue_dma source(%dma_start3A_87 : memref<16384xi32, #tpu.memory_space<hbm>>) target(%arg6 : memref<16384xi32, #tpu.memory_space<vmem>>) target_semaphore(%run_scoped3A : memref<!tpu.dma_semaphore, #tpu.memory_space<semaphore_mem>>)
          %dma_wait3A_88 = arith.constant 0 : i32
          %dma_wait3A_89 = tpu.memref_slice %arg2[%select_n3A, %dma_wait3A_88] : memref<200x16384xi32, #tpu.memory_space<hbm>> -> memref<1x16384xi32, #tpu.memory_space<hbm>>
          %dma_wait3A_90 = tpu.memref_squeeze %dma_wait3A_89 : memref<1x16384xi32, #tpu.memory_space<hbm>> -> memref<16384xi32, #tpu.memory_space<hbm>>
          %dma_wait3A_91 = arith.constant 0 : i32
          %dma_wait3A_92 = tpu.memref_slice %arg2[%select_n3A, %dma_wait3A_91] : memref<200x16384xi32, #tpu.memory_space<hbm>> -> memref<1x16384xi32, #tpu.memory_space<hbm>>
          %dma_wait3A_93 = tpu.memref_squeeze %dma_wait3A_92 : memref<1x16384xi32, #tpu.memory_space<hbm>> -> memref<16384xi32, #tpu.memory_space<hbm>>
          tpu.wait_dma2 semaphore(%run_scoped3A : memref<!tpu.dma_semaphore, #tpu.memory_space<semaphore_mem>>) src(%dma_wait3A_93 : memref<16384xi32, #tpu.memory_space<hbm>>) dst(%arg6 : memref<16384xi32, #tpu.memory_space<vmem>>)
          tpu.yield
        }) : () -> ()
      } else {
      }
      %scan3A_75 = arith.constant 0 : i32
      %scan3A_76 = arith.constant 0 : i32
      %scan3A_77 = arith.constant 4 : i32
      %scan3A_78 = arith.addi %scan3A_76, %scan3A_77 : i32
      %scan3A_79 = arith.constant 1 : i32
      %scan3A_80 = scf.for %scan3A_83 = %scan3A_76 to %scan3A_78 step %scan3A_79 iter_args(%scan3A_84 = %scan3A_75) -> (i32)  : i32 {
        %mul3A_85 = arith.constant 4 : i32
        %mul3A_86 = arith.muli %scan3A_50, %mul3A_85 : i32
        %add3A_87 = arith.addi %mul3A_86, %scan3A_83 : i32
        %rem3A_88 = arith.constant 2 : i32
        %rem3A_89 = arith.remsi %add3A_87, %rem3A_88 : i32
        %ge3A = arith.constant 2 : i32
        %ge3A_90 = arith.cmpi sge, %add3A_87, %ge3A : i32
        %convert_element_type3A_91 = arith.extui %ge3A_90 : i1 to i32
        %cond3A_92 = arith.constant 0 : i32
        %cond3A_93 = arith.cmpi ne, %convert_element_type3A_91, %cond3A_92 : i32
        scf.if %cond3A_93 {
          %dma_wait3A_114 = arith.constant 0 : i32
          %dma_wait3A_115 = arith.constant 0 : i32
          %dma_wait3A_116 = arith.constant 0 : i32
          %dma_wait3A_117 = tpu.memref_slice %arg7[%rem3A_89, %dma_wait3A_115, %dma_wait3A_116] : memref<2x8x4096xf32, #tpu.memory_space<vmem>> -> memref<1x8x4096xf32, #tpu.memory_space<vmem>>
          %dma_wait3A_118 = tpu.memref_squeeze %dma_wait3A_117 : memref<1x8x4096xf32, #tpu.memory_space<vmem>> -> memref<8x4096xf32, #tpu.memory_space<vmem>>
          %dma_wait3A_119 = arith.constant 0 : i32
          %dma_wait3A_120 = arith.constant 0 : i32
          %dma_wait3A_121 = tpu.memref_slice %arg4[%dma_wait3A_114, %dma_wait3A_119, %dma_wait3A_120] : memref<200x64x16384xf32, #tpu.memory_space<hbm>> -> memref<1x8x4096xf32, #tpu.memory_space<hbm>>
          %dma_wait3A_122 = tpu.memref_squeeze %dma_wait3A_121 : memref<1x8x4096xf32, #tpu.memory_space<hbm>> -> memref<8x4096xf32, #tpu.memory_space<hbm>>
          %dma_wait3A_123 = tpu.memref_slice %arg8[%rem3A_89] : memref<2x!tpu.dma_semaphore, #tpu.memory_space<semaphore_mem>> -> memref<1x!tpu.dma_semaphore, #tpu.memory_space<semaphore_mem>>
          %dma_wait3A_124 = tpu.memref_squeeze %dma_wait3A_123 : memref<1x!tpu.dma_semaphore, #tpu.memory_space<semaphore_mem>> -> memref<!tpu.dma_semaphore, #tpu.memory_space<semaphore_mem>>
          %dma_wait3A_125 = arith.constant 0 : i32
          %dma_wait3A_126 = arith.constant 0 : i32
          %dma_wait3A_127 = tpu.memref_slice %arg4[%dma_wait3A_114, %dma_wait3A_125, %dma_wait3A_126] : memref<200x64x16384xf32, #tpu.memory_space<hbm>> -> memref<1x8x4096xf32, #tpu.memory_space<hbm>>
          %dma_wait3A_128 = tpu.memref_squeeze %dma_wait3A_127 : memref<1x8x4096xf32, #tpu.memory_space<hbm>> -> memref<8x4096xf32, #tpu.memory_space<hbm>>
          %dma_wait3A_129 = arith.constant 0 : i32
          %dma_wait3A_130 = arith.constant 0 : i32
          %dma_wait3A_131 = tpu.memref_slice %arg7[%rem3A_89, %dma_wait3A_129, %dma_wait3A_130] : memref<2x8x4096xf32, #tpu.memory_space<vmem>> -> memref<1x8x4096xf32, #tpu.memory_space<vmem>>
          %dma_wait3A_132 = tpu.memref_squeeze %dma_wait3A_131 : memref<1x8x4096xf32, #tpu.memory_space<vmem>> -> memref<8x4096xf32, #tpu.memory_space<vmem>>
          tpu.wait_dma2 semaphore(%dma_wait3A_124 : memref<!tpu.dma_semaphore, #tpu.memory_space<semaphore_mem>>) src(%dma_wait3A_132 : memref<8x4096xf32, #tpu.memory_space<vmem>>) dst(%dma_wait3A_128 : memref<8x4096xf32, #tpu.memory_space<hbm>>)
        } else {
        }
        %parallel_loop3A = arith.constant 0 : i32
        %parallel_loop3A_94 = arith.constant 256 : i32
        %parallel_loop3A_95 = arith.constant 1 : i32
        scf.for %parallel_loop3A_114 = %parallel_loop3A to %parallel_loop3A_94 step %parallel_loop3A_95  : i32 {
          %parallel_loop3A_115 = arith.constant 4096 : i32
          %parallel_loop3A_116 = arith.muli %scan3A_83, %parallel_loop3A_115 : i32
          %parallel_loop3A_117 = arith.constant 16 : i32
          %parallel_loop3A_118 = arith.muli %parallel_loop3A_114, %parallel_loop3A_117 : i32
          %parallel_loop3A_119 = arith.addi %parallel_loop3A_116, %parallel_loop3A_118 : i32
          %parallel_loop3A_120 = arith.index_cast %parallel_loop3A_119 : i32 to index
          %parallel_loop3A_121 = tpu.vector_load %arg6[%parallel_loop3A_120] {strides = array<i32>} : memref<16384xi32, #tpu.memory_space<vmem>>, vector<16xi32>,
          %parallel_loop3A_122 = arith.constant 8 : i32
          %parallel_loop3A_123 = arith.muli %rem3A_70, %parallel_loop3A_122 : i32
          %parallel_loop3A_124 = arith.constant 0 : i32
          %parallel_loop3A_125 = arith.addi %parallel_loop3A_123, %parallel_loop3A_124 : i32
          %parallel_loop3A_126 = vector.broadcast %parallel_loop3A_125 : i32 to vector<16xi32>
          %parallel_loop3A_127 = tpu.vector_load_idx %arg5[%parallel_loop3A_126, %parallel_loop3A_121] : memref<64x128xf32, #tpu.memory_space<vmem>>[vector<16xi32>, vector<16xi32>], vector<16xf32>,
          %parallel_loop3A_128 = arith.constant 16 : i32
          %parallel_loop3A_129 = arith.muli %parallel_loop3A_114, %parallel_loop3A_128 : i32
          %parallel_loop3A_130 = arith.constant 0 : i32
          %parallel_loop3A_131 = arith.index_cast %rem3A_89 : i32 to index
          %parallel_loop3A_132 = arith.index_cast %parallel_loop3A_130 : i32 to index
          %parallel_loop3A_133 = arith.index_cast %parallel_loop3A_129 : i32 to index
          %parallel_loop3A_134 = tpu.vector_load %arg7[%parallel_loop3A_131, %parallel_loop3A_132, %parallel_loop3A_133] {strides = array<i32>} : memref<2x8x4096xf32, #tpu.memory_space<vmem>>, vector<16xf32>,
          tpu.vector_store %arg7[%parallel_loop3A_131, %parallel_loop3A_132, %parallel_loop3A_133], %parallel_loop3A_127 {strides = array<i32>} : memref<2x8x4096xf32, #tpu.memory_space<vmem>>, vector<16xf32>,
          %parallel_loop3A_135 = arith.constant 8 : i32
          %parallel_loop3A_136 = arith.muli %rem3A_70, %parallel_loop3A_135 : i32
          %parallel_loop3A_137 = arith.constant 1 : i32
          %parallel_loop3A_138 = arith.addi %parallel_loop3A_136, %parallel_loop3A_137 : i32
          %parallel_loop3A_139 = vector.broadcast %parallel_loop3A_138 : i32 to vector<16xi32>
          %parallel_loop3A_140 = tpu.vector_load_idx %arg5[%parallel_loop3A_139, %parallel_loop3A_121] : memref<64x128xf32, #tpu.memory_space<vmem>>[vector<16xi32>, vector<16xi32>], vector<16xf32>,
          %parallel_loop3A_141 = arith.constant 16 : i32
          %parallel_loop3A_142 = arith.muli %parallel_loop3A_114, %parallel_loop3A_141 : i32
          %parallel_loop3A_143 = arith.constant 1 : i32
          %parallel_loop3A_144 = arith.index_cast %rem3A_89 : i32 to index
          %parallel_loop3A_145 = arith.index_cast %parallel_loop3A_143 : i32 to index
          %parallel_loop3A_146 = arith.index_cast %parallel_loop3A_142 : i32 to index
          %parallel_loop3A_147 = tpu.vector_load %arg7[%parallel_loop3A_144, %parallel_loop3A_145, %parallel_loop3A_146] {strides = array<i32>} : memref<2x8x4096xf32, #tpu.memory_space<vmem>>, vector<16xf32>,
          tpu.vector_store %arg7[%parallel_loop3A_144, %parallel_loop3A_145, %parallel_loop3A_146], %parallel_loop3A_140 {strides = array<i32>} : memref<2x8x4096xf32, #tpu.memory_space<vmem>>, vector<16xf32>,
          %parallel_loop3A_148 = arith.constant 8 : i32
          %parallel_loop3A_149 = arith.muli %rem3A_70, %parallel_loop3A_148 : i32
          %parallel_loop3A_150 = arith.constant 2 : i32
          %parallel_loop3A_151 = arith.addi %parallel_loop3A_149, %parallel_loop3A_150 : i32
          %parallel_loop3A_152 = vector.broadcast %parallel_loop3A_151 : i32 to vector<16xi32>
          %parallel_loop3A_153 = tpu.vector_load_idx %arg5[%parallel_loop3A_152, %parallel_loop3A_121] : memref<64x128xf32, #tpu.memory_space<vmem>>[vector<16xi32>, vector<16xi32>], vector<16xf32>,
          %parallel_loop3A_154 = arith.constant 16 : i32
          %parallel_loop3A_155 = arith.muli %parallel_loop3A_114, %parallel_loop3A_154 : i32
          %parallel_loop3A_156 = arith.constant 2 : i32
          %parallel_loop3A_157 = arith.index_cast %rem3A_89 : i32 to index
          %parallel_loop3A_158 = arith.index_cast %parallel_loop3A_156 : i32 to index
          %parallel_loop3A_159 = arith.index_cast %parallel_loop3A_155 : i32 to index
          %parallel_loop3A_160 = tpu.vector_load %arg7[%parallel_loop3A_157, %parallel_loop3A_158, %parallel_loop3A_159] {strides = array<i32>} : memref<2x8x4096xf32, #tpu.memory_space<vmem>>, vector<16xf32>,
          tpu.vector_store %arg7[%parallel_loop3A_157, %parallel_loop3A_158, %parallel_loop3A_159], %parallel_loop3A_153 {strides = array<i32>} : memref<2x8x4096xf32, #tpu.memory_space<vmem>>, vector<16xf32>,
          %parallel_loop3A_161 = arith.constant 8 : i32
          %parallel_loop3A_162 = arith.muli %rem3A_70, %parallel_loop3A_161 : i32
          %parallel_loop3A_163 = arith.constant 3 : i32
          %parallel_loop3A_164 = arith.addi %parallel_loop3A_162, %parallel_loop3A_163 : i32
          %parallel_loop3A_165 = vector.broadcast %parallel_loop3A_164 : i32 to vector<16xi32>
          %parallel_loop3A_166 = tpu.vector_load_idx %arg5[%parallel_loop3A_165, %parallel_loop3A_121] : memref<64x128xf32, #tpu.memory_space<vmem>>[vector<16xi32>, vector<16xi32>], vector<16xf32>,
          %parallel_loop3A_167 = arith.constant 16 : i32
          %parallel_loop3A_168 = arith.muli %parallel_loop3A_114, %parallel_loop3A_167 : i32
          %parallel_loop3A_169 = arith.constant 3 : i32
          %parallel_loop3A_170 = arith.index_cast %rem3A_89 : i32 to index
          %parallel_loop3A_171 = arith.index_cast %parallel_loop3A_169 : i32 to index
          %parallel_loop3A_172 = arith.index_cast %parallel_loop3A_168 : i32 to index
          %parallel_loop3A_173 = tpu.vector_load %arg7[%parallel_loop3A_170, %parallel_loop3A_171, %parallel_loop3A_172] {strides = array<i32>} : memref<2x8x4096xf32, #tpu.memory_space<vmem>>, vector<16xf32>,
          tpu.vector_store %arg7[%parallel_loop3A_170, %parallel_loop3A_171, %parallel_loop3A_172], %parallel_loop3A_166 {strides = array<i32>} : memref<2x8x4096xf32, #tpu.memory_space<vmem>>, vector<16xf32>,
          %parallel_loop3A_174 = arith.constant 8 : i32
          %parallel_loop3A_175 = arith.muli %rem3A_70, %parallel_loop3A_174 : i32
          %parallel_loop3A_176 = arith.constant 4 : i32
          %parallel_loop3A_177 = arith.addi %parallel_loop3A_175, %parallel_loop3A_176 : i32
          %parallel_loop3A_178 = vector.broadcast %parallel_loop3A_177 : i32 to vector<16xi32>
          %parallel_loop3A_179 = tpu.vector_load_idx %arg5[%parallel_loop3A_178, %parallel_loop3A_121] : memref<64x128xf32, #tpu.memory_space<vmem>>[vector<16xi32>, vector<16xi32>], vector<16xf32>,
          %parallel_loop3A_180 = arith.constant 16 : i32
          %parallel_loop3A_181 = arith.muli %parallel_loop3A_114, %parallel_loop3A_180 : i32
          %parallel_loop3A_182 = arith.constant 4 : i32
          %parallel_loop3A_183 = arith.index_cast %rem3A_89 : i32 to index
          %parallel_loop3A_184 = arith.index_cast %parallel_loop3A_182 : i32 to index
          %parallel_loop3A_185 = arith.index_cast %parallel_loop3A_181 : i32 to index
          %parallel_loop3A_186 = tpu.vector_load %arg7[%parallel_loop3A_183, %parallel_loop3A_184, %parallel_loop3A_185] {strides = array<i32>} : memref<2x8x4096xf32, #tpu.memory_space<vmem>>, vector<16xf32>,
          tpu.vector_store %arg7[%parallel_loop3A_183, %parallel_loop3A_184, %parallel_loop3A_185], %parallel_loop3A_179 {strides = array<i32>} : memref<2x8x4096xf32, #tpu.memory_space<vmem>>, vector<16xf32>,
          %parallel_loop3A_187 = arith.constant 8 : i32
          %parallel_loop3A_188 = arith.muli %rem3A_70, %parallel_loop3A_187 : i32
          %parallel_loop3A_189 = arith.constant 5 : i32
          %parallel_loop3A_190 = arith.addi %parallel_loop3A_188, %parallel_loop3A_189 : i32
          %parallel_loop3A_191 = vector.broadcast %parallel_loop3A_190 : i32 to vector<16xi32>
          %parallel_loop3A_192 = tpu.vector_load_idx %arg5[%parallel_loop3A_191, %parallel_loop3A_121] : memref<64x128xf32, #tpu.memory_space<vmem>>[vector<16xi32>, vector<16xi32>], vector<16xf32>,
          %parallel_loop3A_193 = arith.constant 16 : i32
          %parallel_loop3A_194 = arith.muli %parallel_loop3A_114, %parallel_loop3A_193 : i32
          %parallel_loop3A_195 = arith.constant 5 : i32
          %parallel_loop3A_196 = arith.index_cast %rem3A_89 : i32 to index
          %parallel_loop3A_197 = arith.index_cast %parallel_loop3A_195 : i32 to index
          %parallel_loop3A_198 = arith.index_cast %parallel_loop3A_194 : i32 to index
          %parallel_loop3A_199 = tpu.vector_load %arg7[%parallel_loop3A_196, %parallel_loop3A_197, %parallel_loop3A_198] {strides = array<i32>} : memref<2x8x4096xf32, #tpu.memory_space<vmem>>, vector<16xf32>,
          tpu.vector_store %arg7[%parallel_loop3A_196, %parallel_loop3A_197, %parallel_loop3A_198], %parallel_loop3A_192 {strides = array<i32>} : memref<2x8x4096xf32, #tpu.memory_space<vmem>>, vector<16xf32>,
          %parallel_loop3A_200 = arith.constant 8 : i32
          %parallel_loop3A_201 = arith.muli %rem3A_70, %parallel_loop3A_200 : i32
          %parallel_loop3A_202 = arith.constant 6 : i32
          %parallel_loop3A_203 = arith.addi %parallel_loop3A_201, %parallel_loop3A_202 : i32
          %parallel_loop3A_204 = vector.broadcast %parallel_loop3A_203 : i32 to vector<16xi32>
          %parallel_loop3A_205 = tpu.vector_load_idx %arg5[%parallel_loop3A_204, %parallel_loop3A_121] : memref<64x128xf32, #tpu.memory_space<vmem>>[vector<16xi32>, vector<16xi32>], vector<16xf32>,
          %parallel_loop3A_206 = arith.constant 16 : i32
          %parallel_loop3A_207 = arith.muli %parallel_loop3A_114, %parallel_loop3A_206 : i32
          %parallel_loop3A_208 = arith.constant 6 : i32
          %parallel_loop3A_209 = arith.index_cast %rem3A_89 : i32 to index
          %parallel_loop3A_210 = arith.index_cast %parallel_loop3A_208 : i32 to index
          %parallel_loop3A_211 = arith.index_cast %parallel_loop3A_207 : i32 to index
          %parallel_loop3A_212 = tpu.vector_load %arg7[%parallel_loop3A_209, %parallel_loop3A_210, %parallel_loop3A_211] {strides = array<i32>} : memref<2x8x4096xf32, #tpu.memory_space<vmem>>, vector<16xf32>,
          tpu.vector_store %arg7[%parallel_loop3A_209, %parallel_loop3A_210, %parallel_loop3A_211], %parallel_loop3A_205 {strides = array<i32>} : memref<2x8x4096xf32, #tpu.memory_space<vmem>>, vector<16xf32>,
          %parallel_loop3A_213 = arith.constant 8 : i32
          %parallel_loop3A_214 = arith.muli %rem3A_70, %parallel_loop3A_213 : i32
          %parallel_loop3A_215 = arith.constant 7 : i32
          %parallel_loop3A_216 = arith.addi %parallel_loop3A_214, %parallel_loop3A_215 : i32
          %parallel_loop3A_217 = vector.broadcast %parallel_loop3A_216 : i32 to vector<16xi32>
          %parallel_loop3A_218 = tpu.vector_load_idx %arg5[%parallel_loop3A_217, %parallel_loop3A_121] : memref<64x128xf32, #tpu.memory_space<vmem>>[vector<16xi32>, vector<16xi32>], vector<16xf32>,
          %parallel_loop3A_219 = arith.constant 16 : i32
          %parallel_loop3A_220 = arith.muli %parallel_loop3A_114, %parallel_loop3A_219 : i32
          %parallel_loop3A_221 = arith.constant 7 : i32
          %parallel_loop3A_222 = arith.index_cast %rem3A_89 : i32 to index
          %parallel_loop3A_223 = arith.index_cast %parallel_loop3A_221 : i32 to index
          %parallel_loop3A_224 = arith.index_cast %parallel_loop3A_220 : i32 to index
          %parallel_loop3A_225 = tpu.vector_load %arg7[%parallel_loop3A_222, %parallel_loop3A_223, %parallel_loop3A_224] {strides = array<i32>} : memref<2x8x4096xf32, #tpu.memory_space<vmem>>, vector<16xf32>,
          tpu.vector_store %arg7[%parallel_loop3A_222, %parallel_loop3A_223, %parallel_loop3A_224], %parallel_loop3A_218 {strides = array<i32>} : memref<2x8x4096xf32, #tpu.memory_space<vmem>>, vector<16xf32>,
        } {sc.loop_unroll_factor = 1 : i64, sc.parallel_access}
        %mul3A_96 = arith.constant 8 : i32
        %mul3A_97 = arith.muli %rem3A_70, %mul3A_96 : i32
        %mul3A_98 = arith.constant 4096 : i32
        %mul3A_99 = arith.muli %scan3A_83, %mul3A_98 : i32
        %dma_start3A = arith.constant 0 : i32
        %dma_start3A_100 = arith.constant 0 : i32
        %dma_start3A_101 = tpu.memref_slice %arg7[%rem3A_89, %dma_start3A, %dma_start3A_100] : memref<2x8x4096xf32, #tpu.memory_space<vmem>> -> memref<1x8x4096xf32, #tpu.memory_space<vmem>>
        %dma_start3A_102 = tpu.memref_squeeze %dma_start3A_101 : memref<1x8x4096xf32, #tpu.memory_space<vmem>> -> memref<8x4096xf32, #tpu.memory_space<vmem>>
        %dma_start3A_103 = tpu.memref_slice %arg4[%select_n3A, %mul3A_97, %mul3A_99] : memref<200x64x16384xf32, #tpu.memory_space<hbm>> -> memref<1x8x4096xf32, #tpu.memory_space<hbm>>
        %dma_start3A_104 = tpu.memref_squeeze %dma_start3A_103 : memref<1x8x4096xf32, #tpu.memory_space<hbm>> -> memref<8x4096xf32, #tpu.memory_space<hbm>>
        %dma_start3A_105 = tpu.memref_slice %arg8[%rem3A_89] : memref<2x!tpu.dma_semaphore, #tpu.memory_space<semaphore_mem>> -> memref<1x!tpu.dma_semaphore, #tpu.memory_space<semaphore_mem>>
        %dma_start3A_106 = tpu.memref_squeeze %dma_start3A_105 : memref<1x!tpu.dma_semaphore, #tpu.memory_space<semaphore_mem>> -> memref<!tpu.dma_semaphore, #tpu.memory_space<semaphore_mem>>
        %dma_start3A_107 = tpu.memref_slice %arg4[%select_n3A, %mul3A_97, %mul3A_99] : memref<200x64x16384xf32, #tpu.memory_space<hbm>> -> memref<1x8x4096xf32, #tpu.memory_space<hbm>>
        %dma_start3A_108 = tpu.memref_squeeze %dma_start3A_107 : memref<1x8x4096xf32, #tpu.memory_space<hbm>> -> memref<8x4096xf32, #tpu.memory_space<hbm>>
        %dma_start3A_109 = arith.constant 0 : i32
        %dma_start3A_110 = arith.constant 0 : i32
        %dma_start3A_111 = tpu.memref_slice %arg7[%rem3A_89, %dma_start3A_109, %dma_start3A_110] : memref<2x8x4096xf32, #tpu.memory_space<vmem>> -> memref<1x8x4096xf32, #tpu.memory_space<vmem>>
        %dma_start3A_112 = tpu.memref_squeeze %dma_start3A_111 : memref<1x8x4096xf32, #tpu.memory_space<vmem>> -> memref<8x4096xf32, #tpu.memory_space<vmem>>
        tpu.enqueue_dma source(%dma_start3A_112 : memref<8x4096xf32, #tpu.memory_space<vmem>>) target(%dma_start3A_108 : memref<8x4096xf32, #tpu.memory_space<hbm>>) target_semaphore(%dma_start3A_106 : memref<!tpu.dma_semaphore, #tpu.memory_space<semaphore_mem>>)
        %scan3A_113 = arith.constant 0 : i32
        scf.yield %scan3A_113 : i32
      }
      %scan3A_81 = arith.constant 4 : i32
      %scan3A_82 = arith.constant 0 : i32
      scf.yield %scan3A_82 : i32
    }
    %scan3A_8 = arith.constant 50 : i32
    %dma_wait3A = arith.constant 0 : i32
    %dma_wait3A_9 = arith.constant 0 : i32
    %dma_wait3A_10 = arith.constant 0 : i32
    %dma_wait3A_11 = arith.constant 0 : i32
    %dma_wait3A_12 = arith.constant 0 : i32
    %dma_wait3A_13 = tpu.memref_slice %arg7[%dma_wait3A, %dma_wait3A_11, %dma_wait3A_12] : memref<2x8x4096xf32, #tpu.memory_space<vmem>> -> memref<1x8x4096xf32, #tpu.memory_space<vmem>>
    %dma_wait3A_14 = tpu.memref_squeeze %dma_wait3A_13 : memref<1x8x4096xf32, #tpu.memory_space<vmem>> -> memref<8x4096xf32, #tpu.memory_space<vmem>>
    %dma_wait3A_15 = arith.constant 0 : i32
    %dma_wait3A_16 = arith.constant 0 : i32
    %dma_wait3A_17 = tpu.memref_slice %arg4[%dma_wait3A_9, %dma_wait3A_15, %dma_wait3A_16] : memref<200x64x16384xf32, #tpu.memory_space<hbm>> -> memref<1x8x4096xf32, #tpu.memory_space<hbm>>
    %dma_wait3A_18 = tpu.memref_squeeze %dma_wait3A_17 : memref<1x8x4096xf32, #tpu.memory_space<hbm>> -> memref<8x4096xf32, #tpu.memory_space<hbm>>
    %dma_wait3A_19 = tpu.memref_slice %arg8[%dma_wait3A_10] : memref<2x!tpu.dma_semaphore, #tpu.memory_space<semaphore_mem>> -> memref<1x!tpu.dma_semaphore, #tpu.memory_space<semaphore_mem>>
    %dma_wait3A_20 = tpu.memref_squeeze %dma_wait3A_19 : memref<1x!tpu.dma_semaphore, #tpu.memory_space<semaphore_mem>> -> memref<!tpu.dma_semaphore, #tpu.memory_space<semaphore_mem>>
    %dma_wait3A_21 = arith.constant 0 : i32
    %dma_wait3A_22 = arith.constant 0 : i32
    %dma_wait3A_23 = tpu.memref_slice %arg4[%dma_wait3A_9, %dma_wait3A_21, %dma_wait3A_22] : memref<200x64x16384xf32, #tpu.memory_space<hbm>> -> memref<1x8x4096xf32, #tpu.memory_space<hbm>>
    %dma_wait3A_24 = tpu.memref_squeeze %dma_wait3A_23 : memref<1x8x4096xf32, #tpu.memory_space<hbm>> -> memref<8x4096xf32, #tpu.memory_space<hbm>>
    %dma_wait3A_25 = arith.constant 0 : i32
    %dma_wait3A_26 = arith.constant 0 : i32
    %dma_wait3A_27 = tpu.memref_slice %arg7[%dma_wait3A, %dma_wait3A_25, %dma_wait3A_26] : memref<2x8x4096xf32, #tpu.memory_space<vmem>> -> memref<1x8x4096xf32, #tpu.memory_space<vmem>>
    %dma_wait3A_28 = tpu.memref_squeeze %dma_wait3A_27 : memref<1x8x4096xf32, #tpu.memory_space<vmem>> -> memref<8x4096xf32, #tpu.memory_space<vmem>>
    tpu.wait_dma2 semaphore(%dma_wait3A_20 : memref<!tpu.dma_semaphore, #tpu.memory_space<semaphore_mem>>) src(%dma_wait3A_28 : memref<8x4096xf32, #tpu.memory_space<vmem>>) dst(%dma_wait3A_24 : memref<8x4096xf32, #tpu.memory_space<hbm>>)
    %dma_wait3A_29 = arith.constant 1 : i32
    %dma_wait3A_30 = arith.constant 0 : i32
    %dma_wait3A_31 = arith.constant 1 : i32
    %dma_wait3A_32 = arith.constant 0 : i32
    %dma_wait3A_33 = arith.constant 0 : i32
    %dma_wait3A_34 = tpu.memref_slice %arg7[%dma_wait3A_29, %dma_wait3A_32, %dma_wait3A_33] : memref<2x8x4096xf32, #tpu.memory_space<vmem>> -> memref<1x8x4096xf32, #tpu.memory_space<vmem>>
    %dma_wait3A_35 = tpu.memref_squeeze %dma_wait3A_34 : memref<1x8x4096xf32, #tpu.memory_space<vmem>> -> memref<8x4096xf32, #tpu.memory_space<vmem>>
    %dma_wait3A_36 = arith.constant 0 : i32
    %dma_wait3A_37 = arith.constant 0 : i32
    %dma_wait3A_38 = tpu.memref_slice %arg4[%dma_wait3A_30, %dma_wait3A_36, %dma_wait3A_37] : memref<200x64x16384xf32, #tpu.memory_space<hbm>> -> memref<1x8x4096xf32, #tpu.memory_space<hbm>>
    %dma_wait3A_39 = tpu.memref_squeeze %dma_wait3A_38 : memref<1x8x4096xf32, #tpu.memory_space<hbm>> -> memref<8x4096xf32, #tpu.memory_space<hbm>>
    %dma_wait3A_40 = tpu.memref_slice %arg8[%dma_wait3A_31] : memref<2x!tpu.dma_semaphore, #tpu.memory_space<semaphore_mem>> -> memref<1x!tpu.dma_semaphore, #tpu.memory_space<semaphore_mem>>
    %dma_wait3A_41 = tpu.memref_squeeze %dma_wait3A_40 : memref<1x!tpu.dma_semaphore, #tpu.memory_space<semaphore_mem>> -> memref<!tpu.dma_semaphore, #tpu.memory_space<semaphore_mem>>
    %dma_wait3A_42 = arith.constant 0 : i32
    %dma_wait3A_43 = arith.constant 0 : i32
    %dma_wait3A_44 = tpu.memref_slice %arg4[%dma_wait3A_30, %dma_wait3A_42, %dma_wait3A_43] : memref<200x64x16384xf32, #tpu.memory_space<hbm>> -> memref<1x8x4096xf32, #tpu.memory_space<hbm>>
    %dma_wait3A_45 = tpu.memref_squeeze %dma_wait3A_44 : memref<1x8x4096xf32, #tpu.memory_space<hbm>> -> memref<8x4096xf32, #tpu.memory_space<hbm>>
    %dma_wait3A_46 = arith.constant 0 : i32
    %dma_wait3A_47 = arith.constant 0 : i32
    %dma_wait3A_48 = tpu.memref_slice %arg7[%dma_wait3A_29, %dma_wait3A_46, %dma_wait3A_47] : memref<2x8x4096xf32, #tpu.memory_space<vmem>> -> memref<1x8x4096xf32, #tpu.memory_space<vmem>>
    %dma_wait3A_49 = tpu.memref_squeeze %dma_wait3A_48 : memref<1x8x4096xf32, #tpu.memory_space<vmem>> -> memref<8x4096xf32, #tpu.memory_space<vmem>>
    tpu.wait_dma2 semaphore(%dma_wait3A_41 : memref<!tpu.dma_semaphore, #tpu.memory_space<semaphore_mem>>) src(%dma_wait3A_49 : memref<8x4096xf32, #tpu.memory_space<vmem>>) dst(%dma_wait3A_45 : memref<8x4096xf32, #tpu.memory_space<hbm>>)
    return
  }
}

</mosaic_0001>

<sc_bundles>
// kernel: _lookup.3.cloned.1.call-start
scs
__scs_entry_jumppad:
0x0: {  	(pc) =	sbr.rel $0x88, $3  }
0x1: {  	(tag) =	ssettag $0x0;
	lr =	simm.s32 $0x1  }
0x2: {  	[smem:$0x3F9F] =	sst lr;
	_ =	strace $0xD0000000  }
0x3: {  	_ = 	snop  }
0x4: {  	_ = 	snop  }
0x5: {  	_ = 	snop  }
0x6: {  	_ = 	snop  }
0x7: {  	_ = 	snop  }
__scs_overlays_trampoline_lowered:
0x8: {  	[smem:$0x3FAE] =	sst s0  }
0x9: {  	[smem:$0x3FAF] =	sst s1  }
0xa: {  	[smem:$0x3FB0] =	sst s2  }
0xb: {  	[smem:$0x3FB1] =	sst s3  }
0xc: {  	[smem:$0x3FB2] =	sst s4  }
0xd: {  	[smem:$0x3FB3] =	sst s5  }
0xe: {  	[smem:$0x3FB4] =	sst s6  }
0xf: {  	[smem:$0x3FB5] =	sst s7  }
0x10: {  	[smem:$0x3FB6] =	sst s8  }
0x11: {  	[smem:$0x3FB7] =	sst s9;
	s0 =	simm.s32 @!p0 $0x0  }
0x12: {  	s1 =	sld [smem:$0x3F9D];
	s0 =	simm.s32 @p0 $0x1  }
0x13: {  	[smem:$0x3FB8] =	sst s0;
	s0 =	simm.s32 @!p1 $0x0  }
0x14: {  	s2 =	sld [smem:$0x3F9C];
	s0 =	simm.s32 @p1 $0x1  }
0x15: {  	[smem:$0x3FB9] =	sst s0;
	s0 =	simm.s32 @!p2 $0x0  }
0x16: {  	s3 =	sld [smem:$0x3FDB];
	s0 =	simm.s32 @p2 $0x1  }
0x17: {  	s4 =	simm.s32 $0x1BF5;
	[smem:$0x3FBB] =	sst s0  }
0x18: {  	s0 =	sld [smem:$0x3F9E];
	_ =	swait.ge [sflag:s4], $0x0  }
0x19: {  	s7 =	sld [smem:$0x3F9F]  }
0x1a: {  	s8 =	sadd.s32 $0xFFFFE003, lr  }
0x1b: {  	s9 =	sadd.s32 $0xFFFFFEF7, lr;
	s5 =	simm.s32 $0xFFFFFFFF;
	p2 =	slt.u32 s8, $0xFFFFF086  }
0x1c: {  	p1 =	slt.u32 s9, $0xF7A;
	s5 =	simm.s32 @!p2 $0x0  }
0x1d: {  	s5 =	simm.s32 @p1 $0x1;
	p0 =	seq.s32 s7, s2  }
0x1e: {  	s7 =	smul.u32 @!p0 $0xF7A, s2;
	p2 =	seq.s32 @!p0 s5, $0x0  }
0x1f: {  	s9 =	smul.u32 $0xF7A, s1;
	s8 =	simm.s32 @!p0 $0x1BF5;
	p2 =	por !p2, p0  }
0x20: {  	[sflag:s8] =	ssyncset.s32 @!p0 $0xFFFFF086;
	s6 =	sadd.s32 @!p0 s3, s7;
	s7 =	simm.s32 @!p0 $0x108  }
0x21: {  	s3 =	sadd.s32 s3, s9;
	s6 =	sadd.s32 @!p0 $0x88, s6;
	s7 =	simm.s32 @p2 $0x1082  }
0x22: {  	[simem:s7], [sflag:s8] =	dma.local @!p0 [hbm:s6], $0xF7A  }
0x23: {  	s9 =	sor.u32 $0xD0000000, s2;
	s6 =	simm.s32 $0x108;
	_ =	swait.ge @!p0 [sflag:s8], $0x0  }
0x24: {  	s3 =	sadd.s32 $0x88, s3;
	s6 =	simm.s32 @!p1 $0x1082;
	[sflag:s4] =	ssyncset.s32 $0xFFFFF086  }
0x25: {  	[simem:s6], [sflag:s4] =	dma.local [hbm:s3], $0xF7A  }
0x26: {  	[smem:$0x3F9F] =	sst s1;
	(tag) =	ssettag s2;
	_ =	strace s9  }
0x27: {  	s1 =	sld [smem:$0x3FAF]  }
0x28: {  	s2 =	sld [smem:$0x3FB0]  }
0x29: {  	s4 =	sld [smem:$0x3FB2]  }
0x2a: {  	p0 =	seq.s32 s5, $0x0;
	s5 =	sld [smem:$0x3FB3]  }
0x2b: {  	s6 =	sld [smem:$0x3FB4]  }
0x2c: {  	s7 =	sld [smem:$0x3FB5]  }
0x2d: {  	s3 =	simm.s32 $0x108;
	s8 =	sld [smem:$0x3FB6]  }
0x2e: {  	s3 =	simm.s32 @!p0 $0x1082;
	s9 =	sld [smem:$0x3FB7]  }
0x2f: {  	lr =	sadd.s32 s0, s3;
	s0 =	sld [smem:$0x3FAE]  }
0x30: {  	s3 =	sld [smem:$0x3FB1]  }
0x31: {  	[smem:$0x3FBA] =	sst s10  }
0x32: {  	s10 =	sld [smem:$0x3FB8];
	_ =	sdelay $0x3  }
0x33: {  	p0 =	seq.s32 s10, $0x1;
	s10 =	sld [smem:$0x3FBA];
	_ =	sdelay $0x3  }
0x34: {  	[smem:$0x3FBA] =	sst s10  }
0x35: {  	s10 =	sld [smem:$0x3FB9];
	_ =	sdelay $0x3  }
0x36: {  	p1 =	seq.s32 s10, $0x1;
	s10 =	sld [smem:$0x3FBA];
	_ =	sdelay $0x3  }
0x37: {  	[smem:$0x3FBA] =	sst s10  }
0x38: {  	s10 =	sld [smem:$0x3FBB]  }
0x39: {  	_ = 	snop;
	(pc) =	sbr.ind lr, $3  }
0x3a: {  	_ = 	snop  }
0x3b: {  	_ = 	snop  }
0x3c: {  	p2 =	seq.s32 s10, $0x1;
	s10 =	sld [smem:$0x3FBA]  }
0x3d: {  	_ =	shalt  }
0x3e: {  	_ =	shalt  }
0x3f: {  	_ =	shalt  }
0x40: {  	_ =	shalt  }
0x41: {  	_ =	shalt  }
0x42: {  	_ =	shalt  }
0x43: {  	_ =	shalt  }
0x44: {  	_ =	shalt  }
0x45: {  	_ =	shalt  }
0x46: {  	_ =	shalt  }
0x47: {  	_ =	shalt  }
0x48: {  	_ =	shalt  }
0x49: {  	_ =	shalt  }
0x4a: {  	_ =	shalt  }
0x4b: {  	_ =	shalt  }
0x4c: {  	_ =	shalt  }
0x4d: {  	_ =	shalt  }
0x4e: {  	_ =	shalt  }
0x4f: {  	_ =	shalt  }
0x50: {  	_ =	shalt  }
0x51: {  	_ =	shalt  }
0x52: {  	_ =	shalt  }
0x53: {  	_ =	shalt  }
0x54: {  	_ =	shalt  }
0x55: {  	_ =	shalt  }
0x56: {  	_ =	shalt  }
0x57: {  	_ =	shalt  }
0x58: {  	_ =	shalt  }
0x59: {  	_ =	shalt  }
0x5a: {  	_ =	shalt  }
0x5b: {  	_ =	shalt  }
0x5c: {  	_ =	shalt  }
0x5d: {  	_ =	shalt  }
0x5e: {  	_ =	shalt  }
0x5f: {  	_ =	shalt  }
0x60: {  	_ =	shalt  }
0x61: {  	_ =	shalt  }
0x62: {  	_ =	shalt  }
0x63: {  	_ =	shalt  }
0x64: {  	_ =	shalt  }
0x65: {  	_ =	shalt  }
0x66: {  	_ =	shalt  }
0x67: {  	_ =	shalt  }
0x68: {  	_ =	shalt  }
0x69: {  	_ =	shalt  }
0x6a: {  	_ =	shalt  }
0x6b: {  	_ =	shalt  }
0x6c: {  	_ =	shalt  }
0x6d: {  	_ =	shalt  }
0x6e: {  	_ =	shalt  }
0x6f: {  	_ =	shalt  }
0x70: {  	_ =	shalt  }
0x71: {  	_ =	shalt  }
0x72: {  	_ =	shalt  }
0x73: {  	_ =	shalt  }
0x74: {  	_ =	shalt  }
0x75: {  	_ =	shalt  }
0x76: {  	_ =	shalt  }
0x77: {  	_ =	shalt  }
0x78: {  	_ =	shalt  }
0x79: {  	_ =	shalt  }
0x7a: {  	_ =	shalt  }
0x7b: {  	_ =	shalt  }
0x7c: {  	_ =	shalt  }
0x7d: {  	_ =	shalt  }
0x7e: {  	_ =	shalt  }
0x7f: {  	_ =	shalt  }
0x80: {  	_ =	shalt  }
0x81: {  	_ =	shalt  }
0x82: {  	_ =	shalt  }
0x83: {  	_ =	shalt  }
0x84: {  	_ =	shalt  }
0x85: {  	_ =	shalt  }
0x86: {  	_ =	shalt  }
0x87: {  	_ =	shalt  }
.Lfunc_end0:
.L_simem_size_0:
called_computation_lowered:
.L_overlay_start_0:
0x88: {  	s2 =	sld [smem:$0x3FD9]  }
0x89: {  	s3 =	sld [smem:$0x3FFE];
	_ =	sdelay $0x1  }
0x8a: {  	s1 =	srdreg.scid  }
0x8b: {  	s0 =	sand.u32 $0x1, s1  }
0x8c: {  	s18 =	sshll.u32 s0, $0xA;
	s2 =	sadd.s32 s3, s2  }
0x8d: {  	s2 =	sadd.s32 s2, s18  }
0x8e: {  	[smem:$0x3FC6] =	sst s2  }
0x8f: {  	_ = 	snop  }
0x90: {  	s2 =	sld [smem:$0x3FC9]  }
0x91: {  	s19 =	sld [smem:$0x3FC8]  }
0x92: {  	s4 =	sld [smem:$0x3FD0];
	(tm) =	ssettm $0x1  }
0x93: {  	s5 =	sld [smem:$0x3FFB];
	_ =	sdelay $0x3  }
0x94: {  	_ =	strace s5  }
0x95: {  	s5 =	sld [smem:$0x3FFC];
	_ =	sdelay $0x3  }
0x96: {  	_ =	strace s5  }
0x97: {  	s5 =	sld [smem:$0x3FFD];
	_ =	sdelay $0x3  }
0x98: {  	_ =	strace s5  }
0x99: {  	_ =	strace $0x8FFFFFFF  }
0x9a: {  	s20 =	sld [smem:$0x3FDB];
	_ =	sdelay $0x1  }
0x9b: {  	s6 =	simm.s32 $_scs_section_size  }
0x9c: {  	s7 =	simm.s32 $_size__tile_overlayer_lowered;
	s8 =	simm.s32 $_tile_overlayer_lowered  }
0x9d: {  	s23 =	simm.s32 $0x1BFF;
	s22 =	sshll.u32 s8, $0x1;
	s5 =	sadd.s32 s6, s20  }
0x9e: {  	s9 =	simm.s32 $0x0;
	s21 =	sshll.u32 s7, $0x1;
	s7 =	sadd.s32 s22, s5  }
0x9f: {  	[timem:s9], [sflag:s23] =	dma.local [hbm:s7], s21  }
0xa0: {  	_ =	swait.ge [sflag:s23], s21  }
0xa1: {  	s6 =	ssub.s32 $0x0, s21;
	[sflag:s23] =	ssyncset.done $0x0  }
0xa2: {  	[sflag:s23] =	ssyncadd.s32 s6;
	_ =	sdelay $0x1  }
0xa3: {  	s24 =	simm.s32 $0x1B8B  }
0xa4: {  	_ =	swait.ge [sflag:s24], $0x1  }
0xa5: {  	[sflag:s24] =	ssyncset.done $0x0  }
0xa6: {  	s25 =	simm.s32 $0x1B8E;
	[sflag:s24] =	ssyncadd.s32 $0xFFFFFFFF  }
0xa7: {  	s26 =	simm.s32 $execute0_lowered;
	[smem:$0x3FD2] =	sst s25  }
0xa8: {  	s6 =	sshll.u32 s26, $0x1;
	_ =	strace $0x80000046;
	[dreg:$0x1] =	wrdreg $0xFFFFFFFF  }
0xa9: {  	s28 =	simm.s32 $_size_execute0_lowered;
	s5 =	sadd.s32 s5, s6;
	[dreg:$0x0] =	wrdreg $0x0  }
0xaa: {  	s6 =	sshll.u32 s28, $0x1;
	[dreg:$0x2] =	wrdreg s5  }
0xab: {  	[dreg:$0x3] =	wrdreg s6  }
0xac: {  	[dreg:$0x4] =	wrdreg $0xC0  }
0xad: {  	_ =	task [dreg:s9], $0x5FFFF  }
0xae: {  	[dreg:$0x1] =	wrdreg $0xFFFFFFFF  }
0xaf: {  	[dreg:$0x0] =	wrdreg $0x60  }
0xb0: {  	[dreg:$0x2] =	wrdreg s2  }
0xb1: {  	[dreg:$0x3] =	wrdreg s19  }
0xb2: {  	[dreg:$0x4] =	wrdreg s4  }
0xb3: {  	[dreg:$0x5] =	wrdreg $0x9  }
0xb4: {  	_ =	task.clear_ibuf [dreg:s9], $0x6FFFF;
	_ =	strace $0x90000046  }
0xb5: {  	s29 =	simm.s32 $0x9;
	_ =	strace $0x80000048  }
0xb6: {  	_ =	swait.ge [sflag:s29], $0x1  }
0xb7: {  	[sflag:s29] =	ssyncadd.s32 $0xFFFFFFFF  }
0xb8: {  	_ =	strace $0x90000048  }
0xb9: {  	_ =	sfence  }
0xba: {  	s30 =	sld [smem:$0x0];
	_ =	sdelay $0x2  }
0xbb: {  	s31 =	sshll.u32 s1, $0xD;
	s1 =	sshrl.u32 s1, $0x2  }
0xbc: {  	s3 =	sand.u32 $0x4000, s31;
	s1 =	sadd.s32 s1, s30  }
0xbd: {  	s0 =	sor.u32 s3, s0;
	s1 =	sshll.u32 s1, $0x11  }
0xbe: {  	s0 =	sor.u32 s1, s0  }
0xbf: {  	s0 =	sadd.s32 $0x8F2B, s0  }
0xc0: {  	[sflag:s0] =	ssyncadd.remote.s32 $0x1  }
0xc1: {  	_ =	sfence.sel $0xFFFF  }
0xc2: {  	[dreg:$0x0] =	wrdreg $0xFFFFFFFF;
	(pc) =	sbr.abs _section_cstart, $3  }
0xc3: {  	[dreg:$0x1] =	wrdreg $0xFFFFFFFF  }
0xc4: {  	_ =	task.clear_ibuf [dreg:s9], $0x2FFFF;
	_ =	strace $0x9FFFFFFF  }
0xc5: {  	(tm) =	ssettm $0x7FFFFFFF  }
tec
execute0_lowered:
.L_overlay_start_1:
0x0: {  	(tag) =	ssettag $0x1  }
0x1: {  	s1 =	rddreg [dreg:$0x0]  }
0x2: {  	s3 =	rddreg [dreg:$0x2];
	s0 =	srdreg.scid;
	s5 =	simm.s32 $0x0  }
0x3: {  	s6 =	stileid.u32;
	s8 =	simm.s32 $0x3;
	s0 =	sand.u32 $0x1, s0  }
0x4: {  	s9 =	simm.s32 $0x80;
	s10 =	simm.s32 $0x400;
	s2 =	ssub.s32 $0x2, s0  }
0x5: {  	s11 =	simm.s32 $0x2000;
	s13 =	simm.s32 $0x2;
	s4 =	sshrl.u32 s2, $0x1  }
0x6: {  	s14 =	simm.s32 $0x0;
	s6 =	sshll.u32 s6, $0x1;
	s2 =	ssub.s32 s2, s4  }
0x7: {  	[smem:$0x7FF] =	sst s5;
	s0 =	sor.u32 s0, s6;
	s31 =	smax.u32 s2, $0x1  }
0x8: {  	_ =	strace $0x80000047;
	s6 =	smul.u32 $0x32, s0;
	[dreg:$0x4] =	wrdreg s31  }
.LBB2_1:
0x9: {  	s0 =	rddreg [dreg:$0x1]  }
0xa: {  	[tilespmem:s5], [sflag:$0x3] =	stream.linear.gather [hbm4b:s0+s5], $0x2000, $0x38;
	[tilespmem:$0x16000] =	vst v63  }
0xb: {  	_ =	swait.ge [sflag:s8], $0x2000  }
0xc: {  	[sflag:s8] =	ssyncset.done $0x0  }
0xd: {  	s15 =	simm.s32 $0x0;
	[sflag:s8] =	ssyncadd.s32 $0xFFFFE000  }
.LBB2_2:
0xe: {  	s0 =	sadd.s32 s6, s15  }
0xf: {  	p0 =	seq.s32 s15, $0x0;
	s2 =	sand.u32 $0x7, s0  }
0x10: {  	s16 =	sshll.u32 s15, $0x2;
	s19 =	simm.s32 $0x0;
	p1 =	sne.s32 @!p0 s2, $0x0  }
0x11: {  	s0 =	sshrl.u32 s0, $0x3;
	s28 =	sshll.u32 s2, $0xA;
	p0 =	por p0, !p1  }
0x12: {  	s2 =	sshll.u32 s2, $0xE;
	s29 =	sor.u32 $0x80, s28;
	s4 =	sshll.u32 @p0 s0, $0x4  }
0x13: {  	s12 =	sor.u32 $0x100, s28;
	s7 =	sshll.u32 @p0 s0, $0xB;
	s4 =	sand.u32 @p0 $0x70, s4  }
0x14: {  	s17 =	sor.u32 $0x180, s28;
	s7 =	sand.u32 @p0 $0xFFFC000, s7;
	s4 =	sadd.s32 @p0 s1, s4  }
0x15: {  	s18 =	sor.u32 $0x200, s28;
	s30 =	sor.u32 $0x280, s28;
	s4 =	sadd.s32 @p0 s7, s4  }
0x16: {  	[tilespmem:s11], [sflag:$0x3] =	stream.strided.gather @p0 [hbm4b:s4+s9], $0x4000, s10, s9, $0x38;
	[tilespmem:$0x16000] =	vst v63  }
0x17: {  	s31 =	sor.u32 $0x300, s28;
	v4 =	vmov s28;
	s2 =	sadd.s32 s3, s2;
	v0 =	vmov s29;
	_ =	swait.ge @p0 [sflag:s8], $0x4000  }
0x18: {  	v1 =	vmov s12;
	v2 =	vmov s17;
	v3 =	vmov s18;
	s0 =	sshll.u32 s0, $0x11;
	s4 =	sor.u32 $0x380, s28;
	[sflag:s8] =	ssyncset.done @p0 $0x0  }
0x19: {  	v5 =	vmov s30;
	v6 =	vmov s31;
	s18 =	simm.s32 $0x0;
	s17 =	sadd.s32 s0, s2;
	v7 =	vmov s4;
	[sflag:s8] =	ssyncadd.s32 @p0 $0xFFFFC000  }
.LBB2_3:
0x1a: {  	s0 =	sadd.s32 s16, s19  }
0x1b: {  	s20 =	sand.u32 $0x1, s19;
	s21 =	sshll.u32 s19, $0xC;
	p0 =	slt.u32 s0, $0x2  }
0x1c: {  	s2 =	sand.u32 $0x3FFFF000, s21;
	s0 =	sadd.s32 @!p0 $0x1, s20  }
0x1d: {  	s12 =	sand.u32 $0xF80, s18;
	s28 =	sadd.s32 $0x2000, s2;
	_ =	swait.ge @!p0 [sflag:s0], $0x8000  }
0x1e: {  	s4 =	sand.u32 $0x70, s18;
	s2 =	sadd.s32 s12, s28;
	[sflag:s0] =	ssyncset.done @!p0 $0x0  }
0x1f: {  	s22 =	sadd.s32 s4, s2;
	[sflag:s0] =	ssyncadd.s32 @!p0 $0xFFFF8000  }
0x20: {  	v8 =	vld [tilespmem:s22+$0x0];
	_ =	sdelay $0x3  }
0x21: {  	s23 =	simm.s32 $0x10  }
0x22: {  	s24 =	sand.u32 $0xF80, s23;
	v19 =	vand.u32 $0xFFFFFF80, v8  }
0x23: {  	s2 =	sadd.s32 s24, s28;
	s0 =	sand.u32 $0x70, s23;
	v18 =	vand.u32 $0x7F, v8;
	v8 =	vadd.s32 v4, v19  }
0x24: {  	s2 =	sadd.s32 s0, s2;
	v8 =	vor.u32 v18, v8  }
0x25: {  	v9 =	vld [tilespmem:s2+$0x0];
	_ =	sdelay $0x3  }
0x26: {  	s7 =	simm.s32 $0x20;
	v10 =	vadd.s32 v0, v19;
	v8 =	vld.idx.msk [tilespmem:v8+s5+$0x0], $0xffff  }
0x27: {  	s25 =	sshll.u32 s20, $0xF;
	s26 =	sand.u32 $0xF80, s7;
	s7 =	sand.u32 $0x70, s7;
	v13 =	vand.u32 $0xFFFFFF80, v9;
	v10 =	vor.u32 v18, v10  }
0x28: {  	s12 =	sand.u32 $0x7C00, s18;
	s22 =	sor.u32 $0x6000, s25;
	s2 =	sadd.s32 s26, s28;
	v12 =	vand.u32 $0x7F, v9;
	v9 =	vadd.s32 v4, v13  }
0x29: {  	s12 =	sadd.s32 s12, s22;
	s2 =	sadd.s32 s7, s2;
	v9 =	vor.u32 v12, v9  }
0x2a: {  	s26 =	sadd.s32 s4, s12;
	v11 =	vld [tilespmem:s2+$0x0]  }
0x2b: {  	[tilespmem:s26+$0x0] =	vst v8  }
0x2c: {  	v8 =	vadd.s32 v1, v19;
	v10 =	vld.idx.msk [tilespmem:v10+s5+$0x0], $0xffff  }
0x2d: {  	s12 =	simm.s32 $0x30;
	v14 =	vor.u32 v18, v8  }
0x2e: {  	s23 =	sand.u32 $0xF80, s12;
	v15 =	vld.idx.msk [tilespmem:v9+s5+$0x0], $0xffff;
	v9 =	vadd.s32 v0, v13  }
0x2f: {  	s24 =	simm.s32 $0x80;
	s2 =	sand.u32 $0x70, s12;
	s4 =	sadd.s32 s23, s28;
	v16 =	vor.u32 v12, v9;
	v8 =	vand.u32 $0xFFFFFF80, v11  }
0x30: {  	s12 =	sand.u32 $0x7C00, s24;
	s4 =	sadd.s32 s2, s4;
	v9 =	vand.u32 $0x7F, v11;
	v11 =	vadd.s32 v4, v8  }
0x31: {  	s25 =	sadd.s32 s12, s22;
	v17 =	vld [tilespmem:s4+$0x0];
	v11 =	vor.u32 v9, v11;
	[tilespmem:s26+$0x80] =	vst v10  }
0x32: {  	s24 =	sadd.s32 s0, s25;
	v10 =	vld.idx.msk [tilespmem:v14+s5+$0x0], $0xffff;
	v14 =	vadd.s32 v2, v19  }
0x33: {  	[tilespmem:s24+$0x0] =	vst v15;
	v14 =	vor.u32 v18, v14  }
0x34: {  	v15 =	vld.idx.msk [tilespmem:v16+s5+$0x0], $0xffff;
	v16 =	vadd.s32 v1, v13  }
0x35: {  	s4 =	simm.s32 $0x40;
	v16 =	vor.u32 v12, v16  }
0x36: {  	s12 =	sand.u32 $0xF80, s4;
	v21 =	vadd.s32 v0, v8;
	v20 =	vld.idx.msk [tilespmem:v11+s5+$0x0], $0xffff;
	v11 =	vand.u32 $0xFFFFFF80, v17  }
0x37: {  	s23 =	simm.s32 $0x100;
	s0 =	sand.u32 $0x70, s4;
	s4 =	sadd.s32 s12, s28;
	v21 =	vor.u32 v9, v21;
	[tilespmem:s26+$0x100] =	vst v10;
	v10 =	vand.u32 $0x7F, v17;
	v17 =	vadd.s32 v4, v11  }
0x38: {  	v22 =	vadd.s32 v3, v19;
	s12 =	sand.u32 $0x7C00, s23;
	s4 =	sadd.s32 s0, s4;
	v14 =	vld.idx.msk [tilespmem:v14+s5+$0x0], $0xffff;
	v17 =	vor.u32 v10, v17  }
0x39: {  	s25 =	sadd.s32 s12, s22;
	v23 =	vld [tilespmem:s4+$0x0];
	[tilespmem:s24+$0x80] =	vst v15;
	v15 =	vor.u32 v18, v22  }
0x3a: {  	s23 =	sadd.s32 s7, s25;
	v22 =	vadd.s32 v2, v13;
	v16 =	vld.idx.msk [tilespmem:v16+s5+$0x0], $0xffff  }
0x3b: {  	[tilespmem:s23+$0x0] =	vst v20;
	v20 =	vor.u32 v12, v22  }
0x3c: {  	v22 =	vadd.s32 v1, v8;
	v21 =	vld.idx.msk [tilespmem:v21+s5+$0x0], $0xffff  }
0x3d: {  	s7 =	simm.s32 $0x50;
	v24 =	vadd.s32 v0, v11;
	v22 =	vor.u32 v9, v22;
	v17 =	vld.idx.msk [tilespmem:v17+s5+$0x0], $0xffff;
	[tilespmem:s26+$0x180] =	vst v14  }
0x3e: {  	v26 =	vadd.s32 v5, v19;
	s25 =	simm.s32 $0x180;
	s12 =	sand.u32 $0xF80, s7;
	v24 =	vor.u32 v10, v24;
	v14 =	vand.u32 $0xFFFFFF80, v23;
	v25 =	vld.idx.msk [tilespmem:v15+s5+$0x0], $0xffff  }
0x3f: {  	s30 =	sand.u32 $0x70, s7;
	s25 =	sand.u32 $0x7C00, s25;
	s7 =	sadd.s32 s12, s28;
	[tilespmem:s24+$0x100] =	vst v16;
	v15 =	vand.u32 $0x7F, v23;
	v16 =	vadd.s32 v4, v14;
	v23 =	vor.u32 v18, v26  }
0x40: {  	s4 =	sadd.s32 s30, s7;
	s7 =	sadd.s32 s25, s22;
	v20 =	vld.idx.msk [tilespmem:v20+s5+$0x0], $0xffff;
	v26 =	vadd.s32 v3, v13;
	v16 =	vor.u32 v15, v16  }
0x41: {  	v27 =	vld [tilespmem:s4+$0x0];
	s25 =	sadd.s32 s2, s7;
	[tilespmem:s23+$0x80] =	vst v21;
	v21 =	vor.u32 v12, v26  }
0x42: {  	v22 =	vld.idx.msk [tilespmem:v22+s5+$0x0], $0xffff;
	[tilespmem:s25+$0x0] =	vst v17;
	v17 =	vadd.s32 v2, v8  }
0x43: {  	s7 =	simm.s32 $0x60;
	v24 =	vld.idx.msk [tilespmem:v24+s5+$0x0], $0xffff;
	v26 =	vor.u32 v9, v17;
	[tilespmem:s26+$0x200] =	vst v25;
	v17 =	vadd.s32 v1, v11  }
0x44: {  	s12 =	sand.u32 $0xF80, s7;
	v23 =	vld.idx.msk [tilespmem:v23+s5+$0x0], $0xffff;
	v25 =	vor.u32 v10, v17;
	v17 =	vadd.s32 v6, v19  }
0x45: {  	s31 =	sand.u32 $0x70, s7;
	s7 =	sadd.s32 s12, s28;
	[tilespmem:s24+$0x180] =	vst v20;
	v28 =	vld.idx.msk [tilespmem:v16+s5+$0x0], $0xffff;
	v16 =	vadd.s32 v0, v14;
	v20 =	vor.u32 v18, v17  }
0x46: {  	v30 =	vadd.s32 v5, v13;
	s12 =	simm.s32 $0x200;
	s2 =	sadd.s32 s31, s7;
	v21 =	vld.idx.msk [tilespmem:v21+s5+$0x0], $0xffff;
	v17 =	vand.u32 $0xFFFFFF80, v27;
	v29 =	vor.u32 v15, v16  }
0x47: {  	s4 =	sand.u32 $0x7C00, s12;
	v32 =	vld [tilespmem:s2+$0x0];
	[tilespmem:s23+$0x100] =	vst v22;
	v16 =	vand.u32 $0x7F, v27;
	v27 =	vor.u32 v12, v30;
	v22 =	vadd.s32 v4, v17  }
0x48: {  	s2 =	sadd.s32 s4, s22;
	v30 =	vor.u32 v16, v22;
	v22 =	vadd.s32 v3, v8;
	v26 =	vld.idx.msk [tilespmem:v26+s5+$0x0], $0xffff;
	[tilespmem:s25+$0x80] =	vst v24  }
0x49: {  	s29 =	sadd.s32 s0, s2;
	v24 =	vor.u32 v9, v22;
	v33 =	vld.idx.msk [tilespmem:v25+s5+$0x0], $0xffff;
	[tilespmem:s26+$0x280] =	vst v23  }
0x4a: {  	v22 =	vadd.s32 v2, v11;
	[tilespmem:s29+$0x0] =	vst v28;
	v34 =	vld.idx.msk [tilespmem:v20+s5+$0x0], $0xffff  }
0x4b: {  	s7 =	simm.s32 $0x70;
	v19 =	vadd.s32 v7, v19;
	v28 =	vor.u32 v10, v22;
	[tilespmem:s24+$0x200] =	vst v21;
	v23 =	vld.idx.msk [tilespmem:v29+s5+$0x0], $0xffff  }
0x4c: {  	s12 =	sand.u32 $0xF80, s7;
	v22 =	vor.u32 v18, v19;
	v20 =	vadd.s32 v1, v14;
	v27 =	vld.idx.msk [tilespmem:v27+s5+$0x0], $0xffff  }
0x4d: {  	s0 =	sand.u32 $0x70, s7;
	s2 =	sadd.s32 s12, s28;
	v18 =	vadd.s32 v6, v13;
	v29 =	vor.u32 v15, v20;
	v30 =	vld.idx.msk [tilespmem:v30+s5+$0x0], $0xffff;
	[tilespmem:s23+$0x180] =	vst v26  }
0x4e: {  	s2 =	sadd.s32 s0, s2;
	v19 =	vadd.s32 v0, v17;
	v25 =	vld.idx.msk [tilespmem:v24+s5+$0x0], $0xffff;
	v24 =	vor.u32 v12, v18  }
0x4f: {  	s4 =	simm.s32 $0x280;
	v21 =	vadd.s32 v5, v8;
	v31 =	vor.u32 v16, v19;
	v20 =	vld [tilespmem:s2+$0x0];
	v18 =	vand.u32 $0xFFFFFF80, v32;
	[tilespmem:s25+$0x100] =	vst v33  }
0x50: {  	s12 =	sand.u32 $0x7C00, s4;
	v19 =	vand.u32 $0x7F, v32;
	s2 =	simm.s32 $0x80;
	v26 =	vor.u32 v9, v21;
	v32 =	vadd.s32 v4, v18;
	v28 =	vld.idx.msk [tilespmem:v28+s5+$0x0], $0xffff;
	[tilespmem:s26+$0x300] =	vst v34  }
.LBB2_4:
0x51: {  	p0 =	sne.s32 s2, $0xFF0;
	v21 =	vor.u32 v19, v32;
	s7 =	sadd.s32 s12, s22;
	[tilespmem:s29+$0x80] =	vst v23;
	v23 =	vadd.s32 v3, v11;
	v32 =	vld.idx.msk [tilespmem:v22+s5+$0x0], $0xffff;
	v22 =	vmov v12  }
0x52: {  	v12 =	vmovc v9;
	v9 =	vmov v10;
	s7 =	sadd.s32 s30, s7;
	v33 =	vld.idx.msk [tilespmem:v29+s5+$0x0], $0xffff;
	v34 =	vor.u32 v10, v23;
	[tilespmem:s24+$0x280] =	vst v27;
	v10 =	vmov v15;
	s30 =	smov.u32 s31;
	s31 =	smov.u32 s0  }
0x53: {  	v27 =	vadd.s32 v2, v14;
	v15 =	vmov v16;
	v16 =	vmov v19;
	[tilespmem:s7+$0x0] =	vst v30;
	v35 =	vld.idx.msk [tilespmem:v24+s5+$0x0], $0xffff  }
0x54: {  	v36 =	vor.u32 v10, v27;
	v24 =	vadd.s32 v7, v13;
	v23 =	vld.idx.msk [tilespmem:v31+s5+$0x0], $0xffff;
	[tilespmem:s23+$0x200] =	vst v25;
	v19 =	vmov v20  }
.Ltmp0:
0x55: {  	s12 =	sand.u32 $0xF80, s2;
	v13 =	vmovc v8;
	v8 =	vmov v11;
	v20 =	vadd.s32 v1, v17;
	v22 =	vor.u32 v22, v24;
	v27 =	vld.idx.msk [tilespmem:v26+s5+$0x0], $0xffff;
	(pc) =	sbr.rel @p0 .LBB2_4-.Ltmp0, $4  }
0x56: {  	s0 =	sand.u32 $0x70, s2;
	s12 =	sadd.s32 s12, s28;
	v11 =	vmov v14;
	v29 =	vor.u32 v15, v20;
	v20 =	vadd.s32 v6, v13;
	v30 =	vld.idx.msk [tilespmem:v21+s5+$0x0], $0xffff;
	[tilespmem:s25+$0x180] =	vst v28  }
0x57: {  	s12 =	sadd.s32 s0, s12;
	v14 =	vmov v17;
	v21 =	vadd.s32 v0, v18;
	v24 =	vor.u32 v12, v20;
	v25 =	vld.idx.msk [tilespmem:v34+s5+$0x0], $0xffff;
	[tilespmem:s26+$0x380] =	vst v32;
	s26 =	smov.u32 s24;
	s24 =	smov.u32 s23  }
0x58: {  	s4 =	sadd.s32 $0x80, s4;
	v17 =	vmovc v18;
	v18 =	vand.u32 $0xFFFFFF80, v19;
	v31 =	vor.u32 v16, v21;
	v21 =	vadd.s32 v5, v8;
	s23 =	smov.u32 s25;
	s25 =	smov.u32 s29;
	v20 =	vld [tilespmem:s12+$0x0];
	[tilespmem:s29+$0x100] =	vst v33  }
0x59: {  	s2 =	sadd.s32 $0x10, s2;
	v19 =	vand.u32 $0x7F, v19;
	v32 =	vadd.s32 v4, v18;
	s12 =	sand.u32 $0x7C00, s4;
	v26 =	vor.u32 v9, v21;
	s29 =	smov.u32 s7;
	v28 =	vld.idx.msk [tilespmem:v36+s5+$0x0], $0xffff;
	[tilespmem:s26+$0x300] =	vst v35  }
0x5a: {  	_ =	sdelay $0x2  }
0x5b: {  	v21 =	vand.u32 $0xFFFFFF80, v20  }
0x5c: {  	v32 =	vor.u32 v19, v32;
	v20 =	vand.u32 $0x7F, v20;
	v33 =	vadd.s32 v4, v21  }
0x5d: {  	v33 =	vor.u32 v20, v33;
	_ =	sdelay $0x3  }
0x5e: {  	v34 =	vadd.s32 v0, v18;
	v32 =	vld.idx.msk [tilespmem:v32+s5+$0x0], $0xffff  }
0x5f: {  	s2 =	sadd.s32 $0x80, s4;
	v34 =	vor.u32 v19, v34;
	v35 =	vadd.s32 v0, v21;
	v33 =	vld.idx.msk [tilespmem:v33+s5+$0x0], $0xffff  }
0x60: {  	s28 =	sadd.s32 s12, s22;
	s7 =	sand.u32 $0x7C00, s2;
	s2 =	sadd.s32 $0x80, s2;
	v35 =	vor.u32 v20, v35  }
0x61: {  	s28 =	sadd.s32 s30, s28;
	s30 =	sadd.s32 s7, s22;
	s2 =	sand.u32 $0x7C00, s2  }
0x62: {  	[tilespmem:s28+$0x0] =	vst v30;
	s7 =	sadd.s32 s31, s30;
	s2 =	sadd.s32 s2, s22  }
0x63: {  	v36 =	vadd.s32 v1, v17;
	v30 =	vld.idx.msk [tilespmem:v31+s5+$0x0], $0xffff;
	s12 =	sadd.s32 s0, s2;
	[tilespmem:s7+$0x0] =	vst v32  }
0x64: {  	v37 =	vadd.s32 v1, v18;
	v31 =	vor.u32 v16, v36;
	v32 =	vld.idx.msk [tilespmem:v34+s5+$0x0], $0xffff;
	[tilespmem:s12+$0x0] =	vst v33  }
0x65: {  	v38 =	vor.u32 v19, v37;
	v40 =	vadd.s32 v1, v21;
	v39 =	vld.idx.msk [tilespmem:v35+s5+$0x0], $0xffff  }
0x66: {  	[tilespmem:s29+$0x80] =	vst v23;
	v41 =	vor.u32 v20, v40  }
0x67: {  	[tilespmem:s24+$0x280] =	vst v27  }
0x68: {  	v43 =	vadd.s32 v2, v14;
	v42 =	vld.idx.msk [tilespmem:v29+s5+$0x0], $0xffff;
	[tilespmem:s28+$0x80] =	vst v30  }
0x69: {  	v44 =	vadd.s32 v2, v17;
	v29 =	vor.u32 v15, v43;
	v30 =	vld.idx.msk [tilespmem:v31+s5+$0x0], $0xffff;
	[tilespmem:s7+$0x80] =	vst v32  }
0x6a: {  	v45 =	vadd.s32 v2, v18;
	v31 =	vor.u32 v16, v44;
	v32 =	vld.idx.msk [tilespmem:v38+s5+$0x0], $0xffff;
	[tilespmem:s12+$0x80] =	vst v39  }
0x6b: {  	v46 =	vor.u32 v19, v45;
	[tilespmem:s23+$0x200] =	vst v25;
	v47 =	vadd.s32 v2, v21;
	v23 =	vld.idx.msk [tilespmem:v41+s5+$0x0], $0xffff  }
0x6c: {  	v22 =	vld.idx.msk [tilespmem:v22+s5+$0x0], $0xffff;
	[tilespmem:s25+$0x180] =	vst v28;
	v48 =	vor.u32 v20, v47  }
0x6d: {  	v49 =	vadd.s32 v3, v11;
	v24 =	vld.idx.msk [tilespmem:v24+s5+$0x0], $0xffff;
	[tilespmem:s29+$0x100] =	vst v42  }
0x6e: {  	v50 =	vadd.s32 v3, v14;
	v27 =	vor.u32 v10, v49;
	v29 =	vld.idx.msk [tilespmem:v29+s5+$0x0], $0xffff;
	[tilespmem:s28+$0x100] =	vst v30  }
0x6f: {  	v51 =	vadd.s32 v3, v17;
	v30 =	vor.u32 v15, v50;
	v31 =	vld.idx.msk [tilespmem:v31+s5+$0x0], $0xffff;
	[tilespmem:s7+$0x100] =	vst v32  }
0x70: {  	v52 =	vadd.s32 v3, v18;
	v32 =	vor.u32 v16, v51;
	v25 =	vld.idx.msk [tilespmem:v46+s5+$0x0], $0xffff;
	[tilespmem:s12+$0x100] =	vst v23  }
0x71: {  	v53 =	vor.u32 v19, v52;
	v55 =	vadd.s32 v3, v21;
	[tilespmem:s26+$0x380] =	vst v22;
	v54 =	vld.idx.msk [tilespmem:v48+s5+$0x0], $0xffff  }
0x72: {  	v13 =	vadd.s32 v7, v13;
	v56 =	vld.idx.msk [tilespmem:v26+s5+$0x0], $0xffff;
	v57 =	vor.u32 v20, v55;
	[tilespmem:s24+$0x300] =	vst v24  }
0x73: {  	v59 =	vadd.s32 v5, v11;
	v12 =	vor.u32 v12, v13;
	v58 =	vld.idx.msk [tilespmem:v27+s5+$0x0], $0xffff;
	[tilespmem:s29+$0x180] =	vst v29  }
0x74: {  	v61 =	vadd.s32 v5, v14;
	v27 =	vor.u32 v10, v59;
	v60 =	vld.idx.msk [tilespmem:v30+s5+$0x0], $0xffff;
	[tilespmem:s28+$0x180] =	vst v31  }
0x75: {  	v63 =	vadd.s32 v5, v17;
	v29 =	vor.u32 v15, v61;
	v62 =	vld.idx.msk [tilespmem:v32+s5+$0x0], $0xffff;
	[tilespmem:s7+$0x180] =	vst v25  }
0x76: {  	v34 =	vadd.s32 v5, v18;
	v33 =	vor.u32 v16, v63;
	v22 =	vld.idx.msk [tilespmem:v53+s5+$0x0], $0xffff;
	[tilespmem:s12+$0x180] =	vst v54  }
0x77: {  	v37 =	vadd.s32 v5, v21;
	[tilespmem:s23+$0x280] =	vst v56;
	v35 =	vor.u32 v19, v34;
	v36 =	vld.idx.msk [tilespmem:v57+s5+$0x0], $0xffff  }
0x78: {  	v12 =	vld.idx.msk [tilespmem:v12+s5+$0x0], $0xffff;
	[tilespmem:s25+$0x200] =	vst v58;
	v38 =	vadd.s32 v6, v8;
	v39 =	vor.u32 v20, v37  }
0x79: {  	v27 =	vld.idx.msk [tilespmem:v27+s5+$0x0], $0xffff;
	v40 =	vor.u32 v9, v38;
	v41 =	vadd.s32 v6, v11;
	[tilespmem:s29+$0x200] =	vst v60  }
0x7a: {  	v43 =	vadd.s32 v6, v14;
	v42 =	vor.u32 v10, v41;
	v29 =	vld.idx.msk [tilespmem:v29+s5+$0x0], $0xffff;
	[tilespmem:s28+$0x200] =	vst v62  }
0x7b: {  	v45 =	vadd.s32 v6, v17;
	v44 =	vor.u32 v15, v43;
	v25 =	vld.idx.msk [tilespmem:v33+s5+$0x0], $0xffff;
	[tilespmem:s7+$0x200] =	vst v22  }
0x7c: {  	v47 =	vadd.s32 v6, v18;
	v46 =	vor.u32 v16, v45;
	v23 =	vld.idx.msk [tilespmem:v35+s5+$0x0], $0xffff;
	[tilespmem:s12+$0x200] =	vst v36  }
0x7d: {  	v49 =	vadd.s32 v6, v21;
	[tilespmem:s24+$0x380] =	vst v12;
	v48 =	vor.u32 v19, v47;
	v13 =	vld.idx.msk [tilespmem:v39+s5+$0x0], $0xffff  }
0x7e: {  	v24 =	vor.u32 v20, v49;
	v8 =	vadd.s32 v7, v8;
	[tilespmem:s25+$0x280] =	vst v27;
	v26 =	vld.idx.msk [tilespmem:v40+s5+$0x0], $0xffff  }
0x7f: {  	v8 =	vor.u32 v9, v8;
	v51 =	vadd.s32 v7, v11;
	v50 =	vld.idx.msk [tilespmem:v42+s5+$0x0], $0xffff;
	[tilespmem:s29+$0x280] =	vst v29  }
0x80: {  	v52 =	vor.u32 v10, v51;
	v53 =	vld.idx.msk [tilespmem:v44+s5+$0x0], $0xffff;
	v54 =	vadd.s32 v7, v14;
	[tilespmem:s28+$0x280] =	vst v25  }
0x81: {  	v56 =	vadd.s32 v7, v17;
	v14 =	vor.u32 v15, v54;
	v55 =	vld.idx.msk [tilespmem:v46+s5+$0x0], $0xffff;
	[tilespmem:s7+$0x280] =	vst v23  }
0x82: {  	v58 =	vadd.s32 v7, v18;
	v57 =	vor.u32 v16, v56;
	v12 =	vld.idx.msk [tilespmem:v48+s5+$0x0], $0xffff;
	[tilespmem:s12+$0x280] =	vst v13  }
0x83: {  	v59 =	vor.u32 v19, v58;
	v61 =	vadd.s32 v7, v21;
	[tilespmem:s23+$0x300] =	vst v26;
	v60 =	vld.idx.msk [tilespmem:v24+s5+$0x0], $0xffff  }
0x84: {  	v8 =	vld.idx.msk [tilespmem:v8+s5+$0x0], $0xffff;
	v62 =	vor.u32 v20, v61;
	[tilespmem:s25+$0x300] =	vst v50  }
0x85: {  	v10 =	vld.idx.msk [tilespmem:v52+s5+$0x0], $0xffff;
	[tilespmem:s29+$0x300] =	vst v53  }
0x86: {  	v11 =	vld.idx.msk [tilespmem:v14+s5+$0x0], $0xffff;
	[tilespmem:s28+$0x300] =	vst v55  }
0x87: {  	v63 =	vld.idx.msk [tilespmem:v57+s5+$0x0], $0xffff;
	[tilespmem:s7+$0x300] =	vst v12  }
0x88: {  	v12 =	vld.idx.msk [tilespmem:v59+s5+$0x0], $0xffff;
	[tilespmem:s12+$0x300] =	vst v60  }
0x89: {  	s19 =	sadd.s32 $0x1, s19;
	[tilespmem:s23+$0x380] =	vst v8;
	v8 =	vld.idx.msk [tilespmem:v62+s5+$0x0], $0xffff  }
0x8a: {  	p0 =	sne.s32 s19, $0x4;
	[tilespmem:s25+$0x380] =	vst v10  }
.Ltmp1:
0x8b: {  	[tilespmem:s29+$0x380] =	vst v11;
	(pc) =	sbr.rel @p0 .LBB2_3-.Ltmp1, $4  }
0x8c: {  	[tilespmem:s28+$0x380] =	vst v63  }
0x8d: {  	[tilespmem:s7+$0x380] =	vst v12  }
0x8e: {  	s30 =	sadd.s32 $0x1, s20;
	s31 =	sadd.s32 s21, s17;
	[tilespmem:s12+$0x380] =	vst v8  }
0x8f: {  	[hbm4b:s31+s5] =	stream.linear.scatter [tilespmem:s22], [sflag:s30], $0x8000, $0x38;
	[tilespmem:$0x16000] =	vst v63  }
0x90: {  	s15 =	sadd.s32 $0x1, s15  }
0x91: {  	p0 =	sne.s32 s15, $0x32  }
.Ltmp2:
0x92: {  	_ = 	snop;
	(pc) =	sbr.rel @p0 .LBB2_2-.Ltmp2, $1  }
0x93: {  	_ =	sdelay $0x3  }
0x94: {  	s0 =	simm.s32 $0x1  }
0x95: {  	_ =	swait.ge [sflag:s0], $0x8000  }
0x96: {  	[sflag:s0] =	ssyncset.done $0x0  }
0x97: {  	[sflag:s0] =	ssyncadd.s32 $0xFFFF8000  }
0x98: {  	_ =	swait.ge [sflag:s13], $0x8000  }
0x99: {  	s14 =	sadd.s32 $0x1, s14;
	s31 =	rddreg [dreg:$0x4]  }
0x9a: {  	p0 =	sne.s32 s14, s31  }
.Ltmp3:
0x9b: {  	_ = 	snop;
	(pc) =	sbr.rel @p0 .LBB2_1-.Ltmp3, $3  }
0x9c: {  	_ =	sdelay $0x1  }
0x9d: {  	[sflag:s13] =	ssyncset.done $0x0  }
0x9e: {  	[sflag:s13] =	ssyncadd.s32 $0xFFFF8000  }
0x9f: {  	_ =	sfence.sel $0x180000  }
0xa0: {  	[bflag:$0x0] =	sbarrier.arrive $0xFFFF  }
0xa1: {  	_ =	strace $0x90000047  }
0xa2: {  	s0 =	stileid.u32;
	[bflag:$0x2] =	sbarrier.arrive $0xFFFF  }
0xa3: {  	p0 =	sne.s32 s0, $0x0;
	s0 =	rddreg [dreg:$0x3]  }
0xa4: {  	s0 =	sadd.s32 @!p0 $0x100000, s0  }
0xa5: {  	[sflag:s0] =	ssyncadd.tile.s32 @!p0 $0x1;
	_ =	shalt  }
.Lfunc_end2:
_tile_overlayer_lowered:
.L_overlay_start_2:
0xa6: {  	(tag) =	ssettag $0x2  }
0xa7: {  	s0 =	rddreg [dreg:$0x0];
	s2 =	stileid.u32  }
0xa8: {  	s1 =	rddreg [dreg:$0x1];
	p0 =	sne.s32 s2, $0x0  }
0xa9: {  	s3 =	rddreg [dreg:$0x2];
	[bflag:$0x3] =	sbarrier.arrive $0xFFFF;
	s2 =	simm.s32 @!p0 $0x1C03  }
0xaa: {  	[timem:s3], [sflag:s2] =	dma.local @!p0 [hbm:s0], s1  }
0xab: {  	s0 =	simm.s32 @!p0 $0x3  }
0xac: {  	_ =	swait.ge @!p0 [sflag:s0], s1  }
0xad: {  	s1 =	ssub.s32 @!p0 $0x0, s1;
	[sflag:s0] =	ssyncset.done @!p0 $0x0  }
0xae: {  	[sflag:s0] =	ssyncadd.s32 @!p0 s1  }
0xaf: {  	[bflag:$0x3] =	sbarrier.arrive $0xFFFF  }
0xb0: {  	_ =	shalt  }

</sc_bundles>
